<compile_context>
chip_gen: v7x
topology: tpu7x:2x2x1
jax: 0.10.2.dev20260603
libtpu: 0.0.44.dev20260713+nightly
codegen_flags: <defaults>
</compile_context>

<pallas_src>
import functools

import jax
import jax.numpy as jnp
from jax import lax
from jax.experimental import pallas as pl
from jax.experimental.pallas import tpu as pltpu
from jax.experimental.pallas import tpu_sc as plsc

VOCAB = 1000000
EMBED = 64
HIDDEN = 64
CLASSES = 2
BATCH = 16384

_info = plsc.get_sparse_core_info()
_NC, _NS, _L = _info.num_cores, _info.num_subcores, _info.num_lanes
_NW = _NC * _NS
_B_PER_W = BATCH // _NW
_N_CHUNK = _B_PER_W // _L

_VBLK = 1024
_NBLK = 1000448 // _VBLK
_GROWS = 1000448 // 128
_GFLAT = _GROWS * 256


def _tc_logit_table(params, table_t):

    def body(par_ref, e_ref, o_ref):
        e = e_ref[...]
        m0 = par_ref[0, :]
        m1 = par_ref[1, :]
        g0 = jnp.dot(m0, e, precision=lax.Precision.HIGHEST) + par_ref[2, 0]
        g1 = jnp.dot(m1, e, precision=lax.Precision.HIGHEST) + par_ref[2, 1]
        o_ref[...] = jnp.concatenate(
            [g0.reshape(_VBLK // 128, 128), g1.reshape(_VBLK // 128, 128)],
            axis=1,
        )

    return pl.pallas_call(
        body,
        grid=(_NBLK,),
        in_specs=[
            pl.BlockSpec((3, EMBED), lambda j: (0, 0)),
            pl.BlockSpec((EMBED, _VBLK), lambda j: (0, j)),
        ],
        out_specs=pl.BlockSpec((_VBLK // 128, 256), lambda j: (j, 0)),
        out_shape=jax.ShapeDtypeStruct((_GROWS, 256), jnp.float32),
    )(params, table_t)


def _sc_gather_logits(gflat, idx2):
    mesh = plsc.VectorSubcoreMesh(core_axis_name="c", subcore_axis_name="s")

    @functools.partial(
        pl.kernel,
        mesh=mesh,
        compiler_params=pltpu.CompilerParams(use_tc_tiling_on_sc=False),
        out_type=jax.ShapeDtypeStruct((CLASSES, BATCH), jnp.float32),
        scratch_types=[
            pltpu.VMEM((_B_PER_W,), jnp.int32),
            pltpu.VMEM((_B_PER_W,), jnp.int32),
            pltpu.VMEM((_B_PER_W,), jnp.int32),
            pltpu.VMEM((_B_PER_W,), jnp.float32),
            pltpu.VMEM((_B_PER_W,), jnp.float32),
            pltpu.SemaphoreType.DMA,
        ],
    )
    def k(g_hbm, idx_hbm, out_hbm, idx_v, f0_v, f1_v, d0_v, d1_v, sem):
        wid = lax.axis_index("s") * _NC + lax.axis_index("c")
        base = wid * _B_PER_W
        pltpu.sync_copy(idx_hbm.at[wid], idx_v)

        def flatten(ch, carry):
            off = ch * _L
            v = idx_v[pl.ds(off, _L)]
            flat0 = ((v >> 7) << 8) + (v & 127)
            f0_v[pl.ds(off, _L)] = flat0
            f1_v[pl.ds(off, _L)] = flat0 + 128
            return carry

        lax.fori_loop(0, _N_CHUNK, flatten, 0)

        copies = []
        for q in range(_B_PER_W // 128):
            copies.append(pltpu.async_copy(
                g_hbm.at[f0_v.at[pl.ds(q * 128, 128)]],
                d0_v.at[pl.ds(q * 128, 128)], sem))
            copies.append(pltpu.async_copy(
                g_hbm.at[f1_v.at[pl.ds(q * 128, 128)]],
                d1_v.at[pl.ds(q * 128, 128)], sem))
        for cp in copies:
            cp.wait()

        pltpu.sync_copy(d0_v, out_hbm.at[0, pl.ds(base, _B_PER_W)])
        pltpu.sync_copy(d1_v, out_hbm.at[1, pl.ds(base, _B_PER_W)])

    return k(gflat, idx2)


def kernel(word_ids, embedding, W1, b1, W2, b2):
    M = jnp.dot(W1, W2, precision=lax.Precision.HIGHEST)
    c = jnp.dot(b1, W2, precision=lax.Precision.HIGHEST) + b2
    params = jnp.zeros((3, EMBED), jnp.float32)
    params = params.at[0].set(M[:, 0])
    params = params.at[1].set(M[:, 1])
    params = params.at[2, 0].set(c[0])
    params = params.at[2, 1].set(c[1])
    g = _tc_logit_table(params, embedding.T)
    gflat = g.reshape(_GFLAT)
    idx2 = word_ids.astype(jnp.int32).reshape(_NW, _B_PER_W)
    out_t = _sc_gather_logits(gflat, idx2)
    return out_t.T

# --- scband reference (transcript-rebuilt; emitter-appended) ---
"""Pipeline reference for scband-naive-word-classifier-41798621725250 (READ-ONLY COPY).

The authoritative reference and input builder live on the scoring server;
editing this copy changes nothing except your own understanding.
"""

import jax, jax.numpy as jnp
import numpy as np

VOCAB = 1000000
EMBED = 64
HIDDEN = 64
CLASSES = 2
BATCH = 16384


def setup_inputs(seed: int = 0) -> dict:
    key = jax.random.key(seed)
    k_ids, k_emb, k_w1, k_b1, k_w2, k_b2 = jax.random.split(key, 6)
    word_ids = jax.random.randint(k_ids, (BATCH,), 0, VOCAB, dtype=jnp.int64 if jax.config.jax_enable_x64 else jnp.int32)
    init_range = 1.0 / EMBED
    embedding = jax.random.uniform(k_emb, (VOCAB, EMBED), dtype=jnp.float32, minval=-init_range, maxval=init_range)
    # nn.Linear default init: U(-1/sqrt(fan_in), 1/sqrt(fan_in))
    lim1 = 1.0 / np.sqrt(EMBED)
    W1 = jax.random.uniform(k_w1, (EMBED, HIDDEN), dtype=jnp.float32, minval=-lim1, maxval=lim1)
    b1 = jax.random.uniform(k_b1, (HIDDEN,), dtype=jnp.float32, minval=-lim1, maxval=lim1)
    lim2 = 1.0 / np.sqrt(HIDDEN)
    W2 = jax.random.uniform(k_w2, (HIDDEN, CLASSES), dtype=jnp.float32, minval=-lim2, maxval=lim2)
    b2 = jax.random.uniform(k_b2, (CLASSES,), dtype=jnp.float32, minval=-lim2, maxval=lim2)
    return {"word_ids": word_ids, "embedding": embedding, "W1": W1, "b1": b1, "W2": W2, "b2": b2}


def reference(word_ids, embedding, W1, b1, W2, b2):
    # features = self.embedding(word_ids)
    features = jnp.take(embedding, word_ids, axis=0)
    # classifier: Linear(embed, hidden) -> Linear(hidden, classes)
    hidden = features @ W1 + b1
    logits = hidden @ W2 + b2
    return logits

if __name__ == "__main__":
    import jax
    _d = setup_inputs()
    print(jax.jit(kernel)(*tuple(_d.values())))

</pallas_src>

<mosaic_0001>
#map = affine_map<(d0, d1) -> (0)>
#map1 = affine_map<(d0, d1) -> (0, 0)>
module attributes {stable_mosaic.version = 14 : i64} {
  func.func @k(%arg0: i32, %arg1: i32, %arg2: memref<2000896xf32, #tpu.memory_space<hbm>>, %arg3: memref<32x512xi32, #tpu.memory_space<hbm>>, %arg4: memref<2x16384xf32, #tpu.memory_space<hbm>>, %arg5: memref<512xi32, #tpu.memory_space<vmem>>, %arg6: memref<512xi32, #tpu.memory_space<vmem>>, %arg7: memref<512xi32, #tpu.memory_space<vmem>>, %arg8: memref<512xf32, #tpu.memory_space<vmem>>, %arg9: memref<512xf32, #tpu.memory_space<vmem>>, %arg10: memref<!tpu.dma_semaphore, #tpu.memory_space<semaphore_mem>>) attributes {dimension_semantics = [#tpu.dimension_semantics<core_parallel>, #tpu.dimension_semantics<subcore_parallel>], iteration_bounds = array<i64: 2, 16>, scalar_prefetch = 0 : i64, scratch_operands = 6 : i64, tpu.core_type = #tpu.core_type<sc_vector_subcore>, window_params = [{transform_indices = #map}, {transform_indices = #map1}, {transform_indices = #map1}]} {
    %mul3A = arith.constant 2 : i32
    %mul3A_0 = arith.muli %arg1, %mul3A : i32
    %add3A = arith.addi %mul3A_0, %arg0 : i32
    %mul3A_1 = arith.constant 512 : i32
    %mul3A_2 = arith.muli %add3A, %mul3A_1 : i32
    "tpu.region"() ({
      %run_scoped3A_103 = tpu.sem_alloc : memref<!tpu.dma_semaphore, #tpu.memory_space<semaphore_mem>>
      %dma_start3A_104 = arith.constant 0 : i32
      %dma_start3A_105 = tpu.memref_slice %arg3[%add3A, %dma_start3A_104] : memref<32x512xi32, #tpu.memory_space<hbm>> -> memref<1x512xi32, #tpu.memory_space<hbm>>
      %dma_start3A_106 = tpu.memref_squeeze %dma_start3A_105 : memref<1x512xi32, #tpu.memory_space<hbm>> -> memref<512xi32, #tpu.memory_space<hbm>>
      %dma_start3A_107 = arith.constant 0 : i32
      %dma_start3A_108 = tpu.memref_slice %arg3[%add3A, %dma_start3A_107] : memref<32x512xi32, #tpu.memory_space<hbm>> -> memref<1x512xi32, #tpu.memory_space<hbm>>
      %dma_start3A_109 = tpu.memref_squeeze %dma_start3A_108 : memref<1x512xi32, #tpu.memory_space<hbm>> -> memref<512xi32, #tpu.memory_space<hbm>>
      tpu.enqueue_dma source(%dma_start3A_109 : memref<512xi32, #tpu.memory_space<hbm>>) target(%arg5 : memref<512xi32, #tpu.memory_space<vmem>>) target_semaphore(%run_scoped3A_103 : memref<!tpu.dma_semaphore, #tpu.memory_space<semaphore_mem>>)
      %dma_wait3A_110 = arith.constant 0 : i32
      %dma_wait3A_111 = tpu.memref_slice %arg3[%add3A, %dma_wait3A_110] : memref<32x512xi32, #tpu.memory_space<hbm>> -> memref<1x512xi32, #tpu.memory_space<hbm>>
      %dma_wait3A_112 = tpu.memref_squeeze %dma_wait3A_111 : memref<1x512xi32, #tpu.memory_space<hbm>> -> memref<512xi32, #tpu.memory_space<hbm>>
      %dma_wait3A_113 = arith.constant 0 : i32
      %dma_wait3A_114 = tpu.memref_slice %arg3[%add3A, %dma_wait3A_113] : memref<32x512xi32, #tpu.memory_space<hbm>> -> memref<1x512xi32, #tpu.memory_space<hbm>>
      %dma_wait3A_115 = tpu.memref_squeeze %dma_wait3A_114 : memref<1x512xi32, #tpu.memory_space<hbm>> -> memref<512xi32, #tpu.memory_space<hbm>>
      tpu.wait_dma2 semaphore(%run_scoped3A_103 : memref<!tpu.dma_semaphore, #tpu.memory_space<semaphore_mem>>) src(%dma_wait3A_115 : memref<512xi32, #tpu.memory_space<hbm>>) dst(%arg5 : memref<512xi32, #tpu.memory_space<vmem>>)
      tpu.yield
    }) : () -> ()
    %scan3A = arith.constant 0 : i32
    %scan3A_3 = arith.constant 0 : i32
    %scan3A_4 = arith.constant 32 : i32
    %scan3A_5 = arith.addi %scan3A_3, %scan3A_4 : i32
    %scan3A_6 = arith.constant 1 : i32
    scf.for %scan3A_103 = %scan3A_3 to %scan3A_5 step %scan3A_6  : i32 {
      %mul3A_104 = arith.constant 16 : i32
      %mul3A_105 = arith.muli %scan3A_103, %mul3A_104 : i32
      %get3A = arith.index_cast %mul3A_105 : i32 to index
      %get3A_106 = tpu.vector_load %arg5[%get3A] {strides = array<i32>} : memref<512xi32, #tpu.memory_space<vmem>>, vector<16xi32>,
      %get3A_107 = vector.shape_cast %get3A_106 : vector<16xi32> to vector<16xi32>
      %shift_right_arithmetic3A = arith.constant 7 : i32
      %shift_right_arithmetic3A_108 = vector.broadcast %shift_right_arithmetic3A : i32 to vector<16xi32>
      %shift_right_arithmetic3A_109 = arith.shrsi %get3A_107, %shift_right_arithmetic3A_108 : vector<16xi32>
      %shift_left3A = arith.constant 8 : i32
      %shift_left3A_110 = vector.broadcast %shift_left3A : i32 to vector<16xi32>
      %shift_left3A_111 = arith.shli %shift_right_arithmetic3A_109, %shift_left3A_110 : vector<16xi32>
      %and3A = arith.constant 127 : i32
      %and3A_112 = vector.broadcast %and3A : i32 to vector<16xi32>
      %and3A_113 = arith.andi %get3A_107, %and3A_112 : vector<16xi32>
      %add3A_114 = arith.addi %shift_left3A_111, %and3A_113 : vector<16xi32>
      %swap3A = arith.index_cast %mul3A_105 : i32 to index
      %swap3A_115 = tpu.vector_load %arg6[%swap3A] {strides = array<i32>} : memref<512xi32, #tpu.memory_space<vmem>>, vector<16xi32>,
      %swap3A_116 = vector.shape_cast %swap3A_115 : vector<16xi32> to vector<16xi32>
      %swap3A_117 = vector.shape_cast %add3A_114 : vector<16xi32> to vector<16xi32>
      tpu.vector_store %arg6[%swap3A], %swap3A_117 {strides = array<i32>} : memref<512xi32, #tpu.memory_space<vmem>>, vector<16xi32>,
      %add3A_118 = arith.constant 128 : i32
      %add3A_119 = vector.broadcast %add3A_118 : i32 to vector<16xi32>
      %add3A_120 = arith.addi %add3A_114, %add3A_119 : vector<16xi32>
      %swap3A_121 = arith.index_cast %mul3A_105 : i32 to index
      %swap3A_122 = tpu.vector_load %arg7[%swap3A_121] {strides = array<i32>} : memref<512xi32, #tpu.memory_space<vmem>>, vector<16xi32>,
      %swap3A_123 = vector.shape_cast %swap3A_122 : vector<16xi32> to vector<16xi32>
      %swap3A_124 = vector.shape_cast %add3A_120 : vector<16xi32> to vector<16xi32>
      tpu.vector_store %arg7[%swap3A_121], %swap3A_124 {strides = array<i32>} : memref<512xi32, #tpu.memory_space<vmem>>, vector<16xi32>,
    }
    %scan3A_7 = arith.constant 32 : i32
    %dma_start3A = arith.constant 0 : i32
    %dma_start3A_8 = tpu.memref_slice %arg8[%dma_start3A] : memref<512xf32, #tpu.memory_space<vmem>> -> memref<128xf32, #tpu.memory_space<vmem>>
    %dma_start3A_9 = arith.constant 0 : i32
    %dma_start3A_10 = tpu.memref_slice %arg6[%dma_start3A_9] : memref<512xi32, #tpu.memory_space<vmem>> -> memref<128xi32, #tpu.memory_space<vmem>>
    %dma_start3A_11 = arith.constant 0 : i32
    %dma_start3A_12 = tpu.memref_slice %arg2[%dma_start3A_11] : memref<2000896xf32, #tpu.memory_space<hbm>> -> memref<2000896xf32, #tpu.memory_space<hbm>>
    tpu.enqueue_indirect_dma source(%dma_start3A_12 : memref<2000896xf32, #tpu.memory_space<hbm>>) target(%dma_start3A_8 : memref<128xf32, #tpu.memory_space<vmem>>) offsets(%dma_start3A_10 : memref<128xi32, #tpu.memory_space<vmem>>) semaphore(%arg10 : memref<!tpu.dma_semaphore, #tpu.memory_space<semaphore_mem>>)
    %dma_start3A_13 = arith.constant 0 : i32
    %dma_start3A_14 = tpu.memref_slice %arg9[%dma_start3A_13] : memref<512xf32, #tpu.memory_space<vmem>> -> memref<128xf32, #tpu.memory_space<vmem>>
    %dma_start3A_15 = arith.constant 0 : i32
    %dma_start3A_16 = tpu.memref_slice %arg7[%dma_start3A_15] : memref<512xi32, #tpu.memory_space<vmem>> -> memref<128xi32, #tpu.memory_space<vmem>>
    %dma_start3A_17 = arith.constant 0 : i32
    %dma_start3A_18 = tpu.memref_slice %arg2[%dma_start3A_17] : memref<2000896xf32, #tpu.memory_space<hbm>> -> memref<2000896xf32, #tpu.memory_space<hbm>>
    tpu.enqueue_indirect_dma source(%dma_start3A_18 : memref<2000896xf32, #tpu.memory_space<hbm>>) target(%dma_start3A_14 : memref<128xf32, #tpu.memory_space<vmem>>) offsets(%dma_start3A_16 : memref<128xi32, #tpu.memory_space<vmem>>) semaphore(%arg10 : memref<!tpu.dma_semaphore, #tpu.memory_space<semaphore_mem>>)
    %dma_start3A_19 = arith.constant 128 : i32
    %dma_start3A_20 = tpu.memref_slice %arg8[%dma_start3A_19] : memref<512xf32, #tpu.memory_space<vmem>> -> memref<128xf32, #tpu.memory_space<vmem>>
    %dma_start3A_21 = arith.constant 128 : i32
    %dma_start3A_22 = tpu.memref_slice %arg6[%dma_start3A_21] : memref<512xi32, #tpu.memory_space<vmem>> -> memref<128xi32, #tpu.memory_space<vmem>>
    %dma_start3A_23 = arith.constant 0 : i32
    %dma_start3A_24 = tpu.memref_slice %arg2[%dma_start3A_23] : memref<2000896xf32, #tpu.memory_space<hbm>> -> memref<2000896xf32, #tpu.memory_space<hbm>>
    tpu.enqueue_indirect_dma source(%dma_start3A_24 : memref<2000896xf32, #tpu.memory_space<hbm>>) target(%dma_start3A_20 : memref<128xf32, #tpu.memory_space<vmem>>) offsets(%dma_start3A_22 : memref<128xi32, #tpu.memory_space<vmem>>) semaphore(%arg10 : memref<!tpu.dma_semaphore, #tpu.memory_space<semaphore_mem>>)
    %dma_start3A_25 = arith.constant 128 : i32
    %dma_start3A_26 = tpu.memref_slice %arg9[%dma_start3A_25] : memref<512xf32, #tpu.memory_space<vmem>> -> memref<128xf32, #tpu.memory_space<vmem>>
    %dma_start3A_27 = arith.constant 128 : i32
    %dma_start3A_28 = tpu.memref_slice %arg7[%dma_start3A_27] : memref<512xi32, #tpu.memory_space<vmem>> -> memref<128xi32, #tpu.memory_space<vmem>>
    %dma_start3A_29 = arith.constant 0 : i32
    %dma_start3A_30 = tpu.memref_slice %arg2[%dma_start3A_29] : memref<2000896xf32, #tpu.memory_space<hbm>> -> memref<2000896xf32, #tpu.memory_space<hbm>>
    tpu.enqueue_indirect_dma source(%dma_start3A_30 : memref<2000896xf32, #tpu.memory_space<hbm>>) target(%dma_start3A_26 : memref<128xf32, #tpu.memory_space<vmem>>) offsets(%dma_start3A_28 : memref<128xi32, #tpu.memory_space<vmem>>) semaphore(%arg10 : memref<!tpu.dma_semaphore, #tpu.memory_space<semaphore_mem>>)
    %dma_start3A_31 = arith.constant 256 : i32
    %dma_start3A_32 = tpu.memref_slice %arg8[%dma_start3A_31] : memref<512xf32, #tpu.memory_space<vmem>> -> memref<128xf32, #tpu.memory_space<vmem>>
    %dma_start3A_33 = arith.constant 256 : i32
    %dma_start3A_34 = tpu.memref_slice %arg6[%dma_start3A_33] : memref<512xi32, #tpu.memory_space<vmem>> -> memref<128xi32, #tpu.memory_space<vmem>>
    %dma_start3A_35 = arith.constant 0 : i32
    %dma_start3A_36 = tpu.memref_slice %arg2[%dma_start3A_35] : memref<2000896xf32, #tpu.memory_space<hbm>> -> memref<2000896xf32, #tpu.memory_space<hbm>>
    tpu.enqueue_indirect_dma source(%dma_start3A_36 : memref<2000896xf32, #tpu.memory_space<hbm>>) target(%dma_start3A_32 : memref<128xf32, #tpu.memory_space<vmem>>) offsets(%dma_start3A_34 : memref<128xi32, #tpu.memory_space<vmem>>) semaphore(%arg10 : memref<!tpu.dma_semaphore, #tpu.memory_space<semaphore_mem>>)
    %dma_start3A_37 = arith.constant 256 : i32
    %dma_start3A_38 = tpu.memref_slice %arg9[%dma_start3A_37] : memref<512xf32, #tpu.memory_space<vmem>> -> memref<128xf32, #tpu.memory_space<vmem>>
    %dma_start3A_39 = arith.constant 256 : i32
    %dma_start3A_40 = tpu.memref_slice %arg7[%dma_start3A_39] : memref<512xi32, #tpu.memory_space<vmem>> -> memref<128xi32, #tpu.memory_space<vmem>>
    %dma_start3A_41 = arith.constant 0 : i32
    %dma_start3A_42 = tpu.memref_slice %arg2[%dma_start3A_41] : memref<2000896xf32, #tpu.memory_space<hbm>> -> memref<2000896xf32, #tpu.memory_space<hbm>>
    tpu.enqueue_indirect_dma source(%dma_start3A_42 : memref<2000896xf32, #tpu.memory_space<hbm>>) target(%dma_start3A_38 : memref<128xf32, #tpu.memory_space<vmem>>) offsets(%dma_start3A_40 : memref<128xi32, #tpu.memory_space<vmem>>) semaphore(%arg10 : memref<!tpu.dma_semaphore, #tpu.memory_space<semaphore_mem>>)
    %dma_start3A_43 = arith.constant 384 : i32
    %dma_start3A_44 = tpu.memref_slice %arg8[%dma_start3A_43] : memref<512xf32, #tpu.memory_space<vmem>> -> memref<128xf32, #tpu.memory_space<vmem>>
    %dma_start3A_45 = arith.constant 384 : i32
    %dma_start3A_46 = tpu.memref_slice %arg6[%dma_start3A_45] : memref<512xi32, #tpu.memory_space<vmem>> -> memref<128xi32, #tpu.memory_space<vmem>>
    %dma_start3A_47 = arith.constant 0 : i32
    %dma_start3A_48 = tpu.memref_slice %arg2[%dma_start3A_47] : memref<2000896xf32, #tpu.memory_space<hbm>> -> memref<2000896xf32, #tpu.memory_space<hbm>>
    tpu.enqueue_indirect_dma source(%dma_start3A_48 : memref<2000896xf32, #tpu.memory_space<hbm>>) target(%dma_start3A_44 : memref<128xf32, #tpu.memory_space<vmem>>) offsets(%dma_start3A_46 : memref<128xi32, #tpu.memory_space<vmem>>) semaphore(%arg10 : memref<!tpu.dma_semaphore, #tpu.memory_space<semaphore_mem>>)
    %dma_start3A_49 = arith.constant 384 : i32
    %dma_start3A_50 = tpu.memref_slice %arg9[%dma_start3A_49] : memref<512xf32, #tpu.memory_space<vmem>> -> memref<128xf32, #tpu.memory_space<vmem>>
    %dma_start3A_51 = arith.constant 384 : i32
    %dma_start3A_52 = tpu.memref_slice %arg7[%dma_start3A_51] : memref<512xi32, #tpu.memory_space<vmem>> -> memref<128xi32, #tpu.memory_space<vmem>>
    %dma_start3A_53 = arith.constant 0 : i32
    %dma_start3A_54 = tpu.memref_slice %arg2[%dma_start3A_53] : memref<2000896xf32, #tpu.memory_space<hbm>> -> memref<2000896xf32, #tpu.memory_space<hbm>>
    tpu.enqueue_indirect_dma source(%dma_start3A_54 : memref<2000896xf32, #tpu.memory_space<hbm>>) target(%dma_start3A_50 : memref<128xf32, #tpu.memory_space<vmem>>) offsets(%dma_start3A_52 : memref<128xi32, #tpu.memory_space<vmem>>) semaphore(%arg10 : memref<!tpu.dma_semaphore, #tpu.memory_space<semaphore_mem>>)
    %dma_wait3A = arith.constant 0 : i32
    %dma_wait3A_55 = tpu.memref_slice %arg8[%dma_wait3A] : memref<512xf32, #tpu.memory_space<vmem>> -> memref<128xf32, #tpu.memory_space<vmem>>
    %dma_wait3A_56 = arith.constant 0 : i32
    %dma_wait3A_57 = tpu.memref_slice %arg6[%dma_wait3A_56] : memref<512xi32, #tpu.memory_space<vmem>> -> memref<128xi32, #tpu.memory_space<vmem>>
    %dma_wait3A_58 = arith.constant 0 : i32
    %dma_wait3A_59 = tpu.memref_slice %arg2[%dma_wait3A_58] : memref<2000896xf32, #tpu.memory_space<hbm>> -> memref<2000896xf32, #tpu.memory_space<hbm>>
    tpu.wait_indirect_dma semaphore(%arg10 : memref<!tpu.dma_semaphore, #tpu.memory_space<semaphore_mem>>) src(%dma_wait3A_59 : memref<2000896xf32, #tpu.memory_space<hbm>>) dst(%dma_wait3A_55 : memref<128xf32, #tpu.memory_space<vmem>>)
    %dma_wait3A_60 = arith.constant 0 : i32
    %dma_wait3A_61 = tpu.memref_slice %arg9[%dma_wait3A_60] : memref<512xf32, #tpu.memory_space<vmem>> -> memref<128xf32, #tpu.memory_space<vmem>>
    %dma_wait3A_62 = arith.constant 0 : i32
    %dma_wait3A_63 = tpu.memref_slice %arg7[%dma_wait3A_62] : memref<512xi32, #tpu.memory_space<vmem>> -> memref<128xi32, #tpu.memory_space<vmem>>
    %dma_wait3A_64 = arith.constant 0 : i32
    %dma_wait3A_65 = tpu.memref_slice %arg2[%dma_wait3A_64] : memref<2000896xf32, #tpu.memory_space<hbm>> -> memref<2000896xf32, #tpu.memory_space<hbm>>
    tpu.wait_indirect_dma semaphore(%arg10 : memref<!tpu.dma_semaphore, #tpu.memory_space<semaphore_mem>>) src(%dma_wait3A_65 : memref<2000896xf32, #tpu.memory_space<hbm>>) dst(%dma_wait3A_61 : memref<128xf32, #tpu.memory_space<vmem>>)
    %dma_wait3A_66 = arith.constant 128 : i32
    %dma_wait3A_67 = tpu.memref_slice %arg8[%dma_wait3A_66] : memref<512xf32, #tpu.memory_space<vmem>> -> memref<128xf32, #tpu.memory_space<vmem>>
    %dma_wait3A_68 = arith.constant 128 : i32
    %dma_wait3A_69 = tpu.memref_slice %arg6[%dma_wait3A_68] : memref<512xi32, #tpu.memory_space<vmem>> -> memref<128xi32, #tpu.memory_space<vmem>>
    %dma_wait3A_70 = arith.constant 0 : i32
    %dma_wait3A_71 = tpu.memref_slice %arg2[%dma_wait3A_70] : memref<2000896xf32, #tpu.memory_space<hbm>> -> memref<2000896xf32, #tpu.memory_space<hbm>>
    tpu.wait_indirect_dma semaphore(%arg10 : memref<!tpu.dma_semaphore, #tpu.memory_space<semaphore_mem>>) src(%dma_wait3A_71 : memref<2000896xf32, #tpu.memory_space<hbm>>) dst(%dma_wait3A_67 : memref<128xf32, #tpu.memory_space<vmem>>)
    %dma_wait3A_72 = arith.constant 128 : i32
    %dma_wait3A_73 = tpu.memref_slice %arg9[%dma_wait3A_72] : memref<512xf32, #tpu.memory_space<vmem>> -> memref<128xf32, #tpu.memory_space<vmem>>
    %dma_wait3A_74 = arith.constant 128 : i32
    %dma_wait3A_75 = tpu.memref_slice %arg7[%dma_wait3A_74] : memref<512xi32, #tpu.memory_space<vmem>> -> memref<128xi32, #tpu.memory_space<vmem>>
    %dma_wait3A_76 = arith.constant 0 : i32
    %dma_wait3A_77 = tpu.memref_slice %arg2[%dma_wait3A_76] : memref<2000896xf32, #tpu.memory_space<hbm>> -> memref<2000896xf32, #tpu.memory_space<hbm>>
    tpu.wait_indirect_dma semaphore(%arg10 : memref<!tpu.dma_semaphore, #tpu.memory_space<semaphore_mem>>) src(%dma_wait3A_77 : memref<2000896xf32, #tpu.memory_space<hbm>>) dst(%dma_wait3A_73 : memref<128xf32, #tpu.memory_space<vmem>>)
    %dma_wait3A_78 = arith.constant 256 : i32
    %dma_wait3A_79 = tpu.memref_slice %arg8[%dma_wait3A_78] : memref<512xf32, #tpu.memory_space<vmem>> -> memref<128xf32, #tpu.memory_space<vmem>>
    %dma_wait3A_80 = arith.constant 256 : i32
    %dma_wait3A_81 = tpu.memref_slice %arg6[%dma_wait3A_80] : memref<512xi32, #tpu.memory_space<vmem>> -> memref<128xi32, #tpu.memory_space<vmem>>
    %dma_wait3A_82 = arith.constant 0 : i32
    %dma_wait3A_83 = tpu.memref_slice %arg2[%dma_wait3A_82] : memref<2000896xf32, #tpu.memory_space<hbm>> -> memref<2000896xf32, #tpu.memory_space<hbm>>
    tpu.wait_indirect_dma semaphore(%arg10 : memref<!tpu.dma_semaphore, #tpu.memory_space<semaphore_mem>>) src(%dma_wait3A_83 : memref<2000896xf32, #tpu.memory_space<hbm>>) dst(%dma_wait3A_79 : memref<128xf32, #tpu.memory_space<vmem>>)
    %dma_wait3A_84 = arith.constant 256 : i32
    %dma_wait3A_85 = tpu.memref_slice %arg9[%dma_wait3A_84] : memref<512xf32, #tpu.memory_space<vmem>> -> memref<128xf32, #tpu.memory_space<vmem>>
    %dma_wait3A_86 = arith.constant 256 : i32
    %dma_wait3A_87 = tpu.memref_slice %arg7[%dma_wait3A_86] : memref<512xi32, #tpu.memory_space<vmem>> -> memref<128xi32, #tpu.memory_space<vmem>>
    %dma_wait3A_88 = arith.constant 0 : i32
    %dma_wait3A_89 = tpu.memref_slice %arg2[%dma_wait3A_88] : memref<2000896xf32, #tpu.memory_space<hbm>> -> memref<2000896xf32, #tpu.memory_space<hbm>>
    tpu.wait_indirect_dma semaphore(%arg10 : memref<!tpu.dma_semaphore, #tpu.memory_space<semaphore_mem>>) src(%dma_wait3A_89 : memref<2000896xf32, #tpu.memory_space<hbm>>) dst(%dma_wait3A_85 : memref<128xf32, #tpu.memory_space<vmem>>)
    %dma_wait3A_90 = arith.constant 384 : i32
    %dma_wait3A_91 = tpu.memref_slice %arg8[%dma_wait3A_90] : memref<512xf32, #tpu.memory_space<vmem>> -> memref<128xf32, #tpu.memory_space<vmem>>
    %dma_wait3A_92 = arith.constant 384 : i32
    %dma_wait3A_93 = tpu.memref_slice %arg6[%dma_wait3A_92] : memref<512xi32, #tpu.memory_space<vmem>> -> memref<128xi32, #tpu.memory_space<vmem>>
    %dma_wait3A_94 = arith.constant 0 : i32
    %dma_wait3A_95 = tpu.memref_slice %arg2[%dma_wait3A_94] : memref<2000896xf32, #tpu.memory_space<hbm>> -> memref<2000896xf32, #tpu.memory_space<hbm>>
    tpu.wait_indirect_dma semaphore(%arg10 : memref<!tpu.dma_semaphore, #tpu.memory_space<semaphore_mem>>) src(%dma_wait3A_95 : memref<2000896xf32, #tpu.memory_space<hbm>>) dst(%dma_wait3A_91 : memref<128xf32, #tpu.memory_space<vmem>>)
    %dma_wait3A_96 = arith.constant 384 : i32
    %dma_wait3A_97 = tpu.memref_slice %arg9[%dma_wait3A_96] : memref<512xf32, #tpu.memory_space<vmem>> -> memref<128xf32, #tpu.memory_space<vmem>>
    %dma_wait3A_98 = arith.constant 384 : i32
    %dma_wait3A_99 = tpu.memref_slice %arg7[%dma_wait3A_98] : memref<512xi32, #tpu.memory_space<vmem>> -> memref<128xi32, #tpu.memory_space<vmem>>
    %dma_wait3A_100 = arith.constant 0 : i32
    %dma_wait3A_101 = tpu.memref_slice %arg2[%dma_wait3A_100] : memref<2000896xf32, #tpu.memory_space<hbm>> -> memref<2000896xf32, #tpu.memory_space<hbm>>
    tpu.wait_indirect_dma semaphore(%arg10 : memref<!tpu.dma_semaphore, #tpu.memory_space<semaphore_mem>>) src(%dma_wait3A_101 : memref<2000896xf32, #tpu.memory_space<hbm>>) dst(%dma_wait3A_97 : memref<128xf32, #tpu.memory_space<vmem>>)
    %run_scoped3A = arith.constant 0 : i32
    "tpu.region"() ({
      %run_scoped3A_103 = tpu.sem_alloc : memref<!tpu.dma_semaphore, #tpu.memory_space<semaphore_mem>>
      %dma_start3A_104 = tpu.memref_slice %arg4[%run_scoped3A, %mul3A_2] : memref<2x16384xf32, #tpu.memory_space<hbm>> -> memref<1x512xf32, #tpu.memory_space<hbm>>
      %dma_start3A_105 = tpu.memref_squeeze %dma_start3A_104 : memref<1x512xf32, #tpu.memory_space<hbm>> -> memref<512xf32, #tpu.memory_space<hbm>>
      %dma_start3A_106 = tpu.memref_slice %arg4[%run_scoped3A, %mul3A_2] : memref<2x16384xf32, #tpu.memory_space<hbm>> -> memref<1x512xf32, #tpu.memory_space<hbm>>
      %dma_start3A_107 = tpu.memref_squeeze %dma_start3A_106 : memref<1x512xf32, #tpu.memory_space<hbm>> -> memref<512xf32, #tpu.memory_space<hbm>>
      tpu.enqueue_dma source(%arg8 : memref<512xf32, #tpu.memory_space<vmem>>) target(%dma_start3A_107 : memref<512xf32, #tpu.memory_space<hbm>>) target_semaphore(%run_scoped3A_103 : memref<!tpu.dma_semaphore, #tpu.memory_space<semaphore_mem>>)
      %dma_wait3A_108 = tpu.memref_slice %arg4[%run_scoped3A, %mul3A_2] : memref<2x16384xf32, #tpu.memory_space<hbm>> -> memref<1x512xf32, #tpu.memory_space<hbm>>
      %dma_wait3A_109 = tpu.memref_squeeze %dma_wait3A_108 : memref<1x512xf32, #tpu.memory_space<hbm>> -> memref<512xf32, #tpu.memory_space<hbm>>
      %dma_wait3A_110 = tpu.memref_slice %arg4[%run_scoped3A, %mul3A_2] : memref<2x16384xf32, #tpu.memory_space<hbm>> -> memref<1x512xf32, #tpu.memory_space<hbm>>
      %dma_wait3A_111 = tpu.memref_squeeze %dma_wait3A_110 : memref<1x512xf32, #tpu.memory_space<hbm>> -> memref<512xf32, #tpu.memory_space<hbm>>
      tpu.wait_dma2 semaphore(%run_scoped3A_103 : memref<!tpu.dma_semaphore, #tpu.memory_space<semaphore_mem>>) src(%arg8 : memref<512xf32, #tpu.memory_space<vmem>>) dst(%dma_wait3A_111 : memref<512xf32, #tpu.memory_space<hbm>>)
      tpu.yield
    }) : () -> ()
    %run_scoped3A_102 = arith.constant 1 : i32
    "tpu.region"() ({
      %run_scoped3A_103 = tpu.sem_alloc : memref<!tpu.dma_semaphore, #tpu.memory_space<semaphore_mem>>
      %dma_start3A_104 = tpu.memref_slice %arg4[%run_scoped3A_102, %mul3A_2] : memref<2x16384xf32, #tpu.memory_space<hbm>> -> memref<1x512xf32, #tpu.memory_space<hbm>>
      %dma_start3A_105 = tpu.memref_squeeze %dma_start3A_104 : memref<1x512xf32, #tpu.memory_space<hbm>> -> memref<512xf32, #tpu.memory_space<hbm>>
      %dma_start3A_106 = tpu.memref_slice %arg4[%run_scoped3A_102, %mul3A_2] : memref<2x16384xf32, #tpu.memory_space<hbm>> -> memref<1x512xf32, #tpu.memory_space<hbm>>
      %dma_start3A_107 = tpu.memref_squeeze %dma_start3A_106 : memref<1x512xf32, #tpu.memory_space<hbm>> -> memref<512xf32, #tpu.memory_space<hbm>>
      tpu.enqueue_dma source(%arg9 : memref<512xf32, #tpu.memory_space<vmem>>) target(%dma_start3A_107 : memref<512xf32, #tpu.memory_space<hbm>>) target_semaphore(%run_scoped3A_103 : memref<!tpu.dma_semaphore, #tpu.memory_space<semaphore_mem>>)
      %dma_wait3A_108 = tpu.memref_slice %arg4[%run_scoped3A_102, %mul3A_2] : memref<2x16384xf32, #tpu.memory_space<hbm>> -> memref<1x512xf32, #tpu.memory_space<hbm>>
      %dma_wait3A_109 = tpu.memref_squeeze %dma_wait3A_108 : memref<1x512xf32, #tpu.memory_space<hbm>> -> memref<512xf32, #tpu.memory_space<hbm>>
      %dma_wait3A_110 = tpu.memref_slice %arg4[%run_scoped3A_102, %mul3A_2] : memref<2x16384xf32, #tpu.memory_space<hbm>> -> memref<1x512xf32, #tpu.memory_space<hbm>>
      %dma_wait3A_111 = tpu.memref_squeeze %dma_wait3A_110 : memref<1x512xf32, #tpu.memory_space<hbm>> -> memref<512xf32, #tpu.memory_space<hbm>>
      tpu.wait_dma2 semaphore(%run_scoped3A_103 : memref<!tpu.dma_semaphore, #tpu.memory_space<semaphore_mem>>) src(%arg9 : memref<512xf32, #tpu.memory_space<vmem>>) dst(%dma_wait3A_111 : memref<512xf32, #tpu.memory_space<hbm>>)
      tpu.yield
    }) : () -> ()
    return
  }
}

module attributes {stable_mosaic.version = 14 : i64} {
  func.func @body(%arg0: i32, %arg1: memref<3x64xf32, #tpu.memory_space<vmem>>, %arg2: memref<64x1024xf32, #tpu.memory_space<vmem>>, %arg3: memref<8x256xf32, #tpu.memory_space<vmem>>) attributes {dimension_semantics = [#tpu.dimension_semantics<arbitrary>], iteration_bounds = array<i64: 977>, scalar_prefetch = 0 : i64, scratch_operands = 0 : i64, tpu.core_type = #tpu.core_type<tc>, window_params = [{pipeline_mode = #tpu.pipeline_mode<synchronous>, transform_indices = @transform_0, window_bounds = array<i64: 3, 64>}, {transform_indices = @transform_1, window_bounds = array<i64: 64, 1024>}, {transform_indices = @transform_2, window_bounds = array<i64: 8, 256>}]} {
    %get3A = arith.constant 0 : index
    %get3A_0 = arith.constant 0 : index
    %get3A_1 = vector.load %arg2[%get3A, %get3A_0] : memref<64x1024xf32, #tpu.memory_space<vmem>>, vector<64x1024xf32>
    %get3A_2 = arith.constant 0 : index
    %get3A_3 = arith.constant 0 : index
    %get3A_4 = vector.load %arg1[%get3A_2, %get3A_3] : memref<3x64xf32, #tpu.memory_space<vmem>>, vector<1x64xf32>
    %get3A_5 = vector.shape_cast %get3A_4 : vector<1x64xf32> to vector<64xf32>
    %get3A_6 = arith.constant 1 : index
    %get3A_7 = arith.constant 0 : index
    %get3A_8 = vector.load %arg1[%get3A_6, %get3A_7] : memref<3x64xf32, #tpu.memory_space<vmem>>, vector<1x64xf32>
    %get3A_9 = vector.shape_cast %get3A_8 : vector<1x64xf32> to vector<64xf32>
    %dot_general3A = arith.constant dense<0.000000e+00> : vector<1024xf32>
    %dot_general3A_10 = tpu.matmul %get3A_5, %get3A_1, %dot_general3A {dimension_numbers = #tpu.dot_dimension_numbers<[0], [0], [], [1], [1, 1], [], []>, precision = #tpu.contract_precision<fp32>, transpose_lhs_hint = false} : vector<64xf32>, vector<64x1024xf32>, vector<1024xf32> -> vector<1024xf32>
    %get3A_11 = arith.constant 2 : index
    %get3A_12 = arith.constant 0 : index
    %get3A_13 = vector.load %arg1[%get3A_11, %get3A_12] : memref<3x64xf32, #tpu.memory_space<vmem>>, vector<1x1xf32>
    %get3A_14 = vector.extract %get3A_13[0, 0] : f32 from vector<1x1xf32>
    %add3A = vector.broadcast %get3A_14 : f32 to vector<1024xf32>
    %add3A_15 = arith.addf %dot_general3A_10, %add3A : vector<1024xf32>
    %dot_general3A_16 = arith.constant dense<0.000000e+00> : vector<1024xf32>
    %dot_general3A_17 = tpu.matmul %get3A_9, %get3A_1, %dot_general3A_16 {dimension_numbers = #tpu.dot_dimension_numbers<[0], [0], [], [1], [1, 1], [], []>, precision = #tpu.contract_precision<fp32>, transpose_lhs_hint = false} : vector<64xf32>, vector<64x1024xf32>, vector<1024xf32> -> vector<1024xf32>
    %get3A_18 = arith.constant 2 : index
    %get3A_19 = arith.constant 1 : index
    %get3A_20 = vector.load %arg1[%get3A_18, %get3A_19] : memref<3x64xf32, #tpu.memory_space<vmem>>, vector<1x1xf32>
    %get3A_21 = vector.extract %get3A_20[0, 0] : f32 from vector<1x1xf32>
    %add3A_22 = vector.broadcast %get3A_21 : f32 to vector<1024xf32>
    %add3A_23 = arith.addf %dot_general3A_17, %add3A_22 : vector<1024xf32>
    %reshape3A = vector.shape_cast %add3A_15 : vector<1024xf32> to vector<8x128xf32>
    %reshape3A_24 = vector.shape_cast %add3A_23 : vector<1024xf32> to vector<8x128xf32>
    %concatenate3A = tpu.concatenate %reshape3A, %reshape3A_24 in 1 : vector<8x128xf32>, vector<8x128xf32> -> vector<8x256xf32>
    %swap3A = arith.constant 0 : index
    %swap3A_25 = arith.constant 0 : index
    %swap3A_26 = vector.load %arg3[%swap3A, %swap3A_25] : memref<8x256xf32, #tpu.memory_space<vmem>>, vector<8x256xf32>
    tpu.vector_store %arg3[%swap3A, %swap3A_25], %concatenate3A {strides = array<i32>} : memref<8x256xf32, #tpu.memory_space<vmem>>, vector<8x256xf32>,
    return
  }
  func.func @transform_0(%arg0: i32) -> (i32, i32) {
    %c0_i32 = arith.constant 0 : i32
    %c0_i32_0 = arith.constant 0 : i32
    %c0_i32_1 = arith.constant 0 : i32
    return %c0_i32, %c0_i32_0 : i32, i32
  }
  func.func @transform_1(%arg0: i32) -> (i32, i32) {
    %c0_i32 = arith.constant 0 : i32
    %c0_i32_0 = arith.constant 0 : i32
    return %c0_i32, %arg0 : i32, i32
  }
  func.func @transform_2(%arg0: i32) -> (i32, i32) {
    %c0_i32 = arith.constant 0 : i32
    %c0_i32_0 = arith.constant 0 : i32
    return %arg0, %c0_i32 : i32, i32
  }
}

</mosaic_0001>

<sc_bundles>
// kernel: kernel.4.cloned.1.call-start
scs
__scs_entry_jumppad:
0x0: {  	(pc) =	sbr.rel $0x88, $3  }
0x1: {  	(tag) =	ssettag $0x0;
	lr =	simm.s32 $0x1  }
0x2: {  	[smem:$0x3F9B] =	sst lr;
	_ =	strace $0xD0000000  }
0x3: {  	_ = 	snop  }
0x4: {  	_ = 	snop  }
0x5: {  	_ = 	snop  }
0x6: {  	_ = 	snop  }
0x7: {  	_ = 	snop  }
__scs_overlays_trampoline_lowered:
0x8: {  	[smem:$0x3FAA] =	sst s0  }
0x9: {  	[smem:$0x3FAB] =	sst s1  }
0xa: {  	[smem:$0x3FAC] =	sst s2  }
0xb: {  	[smem:$0x3FAD] =	sst s3  }
0xc: {  	[smem:$0x3FAE] =	sst s4  }
0xd: {  	[smem:$0x3FAF] =	sst s5  }
0xe: {  	[smem:$0x3FB0] =	sst s6  }
0xf: {  	[smem:$0x3FB1] =	sst s7  }
0x10: {  	[smem:$0x3FB2] =	sst s8  }
0x11: {  	[smem:$0x3FB3] =	sst s9;
	s0 =	simm.s32 @!p0 $0x0  }
0x12: {  	s1 =	sld [smem:$0x3F99];
	s0 =	simm.s32 @p0 $0x1  }
0x13: {  	[smem:$0x3FB4] =	sst s0;
	s0 =	simm.s32 @!p1 $0x0  }
0x14: {  	s2 =	sld [smem:$0x3F98];
	s0 =	simm.s32 @p1 $0x1  }
0x15: {  	[smem:$0x3FB5] =	sst s0;
	s0 =	simm.s32 @!p2 $0x0  }
0x16: {  	s3 =	sld [smem:$0x3FDB];
	s0 =	simm.s32 @p2 $0x1  }
0x17: {  	s4 =	simm.s32 $0x1BF5;
	[smem:$0x3FB7] =	sst s0  }
0x18: {  	s0 =	sld [smem:$0x3F9A];
	_ =	swait.ge [sflag:s4], $0x0  }
0x19: {  	s7 =	sld [smem:$0x3F9B]  }
0x1a: {  	s8 =	sadd.s32 $0xFFFFE003, lr  }
0x1b: {  	s9 =	sadd.s32 $0xFFFFFEF7, lr;
	s5 =	simm.s32 $0xFFFFFFFF;
	p2 =	slt.u32 s8, $0xFFFFF086  }
0x1c: {  	p1 =	slt.u32 s9, $0xF7A;
	s5 =	simm.s32 @!p2 $0x0  }
0x1d: {  	s5 =	simm.s32 @p1 $0x1;
	p0 =	seq.s32 s7, s2  }
0x1e: {  	s7 =	smul.u32 @!p0 $0xF7A, s2;
	p2 =	seq.s32 @!p0 s5, $0x0  }
0x1f: {  	s9 =	smul.u32 $0xF7A, s1;
	s8 =	simm.s32 @!p0 $0x1BF5;
	p2 =	por !p2, p0  }
0x20: {  	[sflag:s8] =	ssyncset.s32 @!p0 $0xFFFFF086;
	s6 =	sadd.s32 @!p0 s3, s7;
	s7 =	simm.s32 @!p0 $0x108  }
0x21: {  	s3 =	sadd.s32 s3, s9;
	s6 =	sadd.s32 @!p0 $0x88, s6;
	s7 =	simm.s32 @p2 $0x1082  }
0x22: {  	[simem:s7], [sflag:s8] =	dma.local @!p0 [hbm:s6], $0xF7A  }
0x23: {  	s9 =	sor.u32 $0xD0000000, s2;
	s6 =	simm.s32 $0x108;
	_ =	swait.ge @!p0 [sflag:s8], $0x0  }
0x24: {  	s3 =	sadd.s32 $0x88, s3;
	s6 =	simm.s32 @!p1 $0x1082;
	[sflag:s4] =	ssyncset.s32 $0xFFFFF086  }
0x25: {  	[simem:s6], [sflag:s4] =	dma.local [hbm:s3], $0xF7A  }
0x26: {  	[smem:$0x3F9B] =	sst s1;
	(tag) =	ssettag s2;
	_ =	strace s9  }
0x27: {  	s1 =	sld [smem:$0x3FAB]  }
0x28: {  	s2 =	sld [smem:$0x3FAC]  }
0x29: {  	s4 =	sld [smem:$0x3FAE]  }
0x2a: {  	p0 =	seq.s32 s5, $0x0;
	s5 =	sld [smem:$0x3FAF]  }
0x2b: {  	s6 =	sld [smem:$0x3FB0]  }
0x2c: {  	s7 =	sld [smem:$0x3FB1]  }
0x2d: {  	s3 =	simm.s32 $0x108;
	s8 =	sld [smem:$0x3FB2]  }
0x2e: {  	s3 =	simm.s32 @!p0 $0x1082;
	s9 =	sld [smem:$0x3FB3]  }
0x2f: {  	lr =	sadd.s32 s0, s3;
	s0 =	sld [smem:$0x3FAA]  }
0x30: {  	s3 =	sld [smem:$0x3FAD]  }
0x31: {  	[smem:$0x3FB6] =	sst s10  }
0x32: {  	s10 =	sld [smem:$0x3FB4];
	_ =	sdelay $0x3  }
0x33: {  	p0 =	seq.s32 s10, $0x1;
	s10 =	sld [smem:$0x3FB6];
	_ =	sdelay $0x3  }
0x34: {  	[smem:$0x3FB6] =	sst s10  }
0x35: {  	s10 =	sld [smem:$0x3FB5];
	_ =	sdelay $0x3  }
0x36: {  	p1 =	seq.s32 s10, $0x1;
	s10 =	sld [smem:$0x3FB6];
	_ =	sdelay $0x3  }
0x37: {  	[smem:$0x3FB6] =	sst s10  }
0x38: {  	s10 =	sld [smem:$0x3FB7]  }
0x39: {  	_ = 	snop;
	(pc) =	sbr.ind lr, $3  }
0x3a: {  	_ = 	snop  }
0x3b: {  	_ = 	snop  }
0x3c: {  	p2 =	seq.s32 s10, $0x1;
	s10 =	sld [smem:$0x3FB6]  }
0x3d: {  	_ =	shalt  }
0x3e: {  	_ =	shalt  }
0x3f: {  	_ =	shalt  }
0x40: {  	_ =	shalt  }
0x41: {  	_ =	shalt  }
0x42: {  	_ =	shalt  }
0x43: {  	_ =	shalt  }
0x44: {  	_ =	shalt  }
0x45: {  	_ =	shalt  }
0x46: {  	_ =	shalt  }
0x47: {  	_ =	shalt  }
0x48: {  	_ =	shalt  }
0x49: {  	_ =	shalt  }
0x4a: {  	_ =	shalt  }
0x4b: {  	_ =	shalt  }
0x4c: {  	_ =	shalt  }
0x4d: {  	_ =	shalt  }
0x4e: {  	_ =	shalt  }
0x4f: {  	_ =	shalt  }
0x50: {  	_ =	shalt  }
0x51: {  	_ =	shalt  }
0x52: {  	_ =	shalt  }
0x53: {  	_ =	shalt  }
0x54: {  	_ =	shalt  }
0x55: {  	_ =	shalt  }
0x56: {  	_ =	shalt  }
0x57: {  	_ =	shalt  }
0x58: {  	_ =	shalt  }
0x59: {  	_ =	shalt  }
0x5a: {  	_ =	shalt  }
0x5b: {  	_ =	shalt  }
0x5c: {  	_ =	shalt  }
0x5d: {  	_ =	shalt  }
0x5e: {  	_ =	shalt  }
0x5f: {  	_ =	shalt  }
0x60: {  	_ =	shalt  }
0x61: {  	_ =	shalt  }
0x62: {  	_ =	shalt  }
0x63: {  	_ =	shalt  }
0x64: {  	_ =	shalt  }
0x65: {  	_ =	shalt  }
0x66: {  	_ =	shalt  }
0x67: {  	_ =	shalt  }
0x68: {  	_ =	shalt  }
0x69: {  	_ =	shalt  }
0x6a: {  	_ =	shalt  }
0x6b: {  	_ =	shalt  }
0x6c: {  	_ =	shalt  }
0x6d: {  	_ =	shalt  }
0x6e: {  	_ =	shalt  }
0x6f: {  	_ =	shalt  }
0x70: {  	_ =	shalt  }
0x71: {  	_ =	shalt  }
0x72: {  	_ =	shalt  }
0x73: {  	_ =	shalt  }
0x74: {  	_ =	shalt  }
0x75: {  	_ =	shalt  }
0x76: {  	_ =	shalt  }
0x77: {  	_ =	shalt  }
0x78: {  	_ =	shalt  }
0x79: {  	_ =	shalt  }
0x7a: {  	_ =	shalt  }
0x7b: {  	_ =	shalt  }
0x7c: {  	_ =	shalt  }
0x7d: {  	_ =	shalt  }
0x7e: {  	_ =	shalt  }
0x7f: {  	_ =	shalt  }
0x80: {  	_ =	shalt  }
0x81: {  	_ =	shalt  }
0x82: {  	_ =	shalt  }
0x83: {  	_ =	shalt  }
0x84: {  	_ =	shalt  }
0x85: {  	_ =	shalt  }
0x86: {  	_ =	shalt  }
0x87: {  	_ =	shalt  }
.Lfunc_end0:
.L_simem_size_0:
called_computation_lowered:
.L_overlay_start_0:
0x88: {  	s2 =	sld [smem:$0x3FD9]  }
0x89: {  	s3 =	sld [smem:$0x3FFE];
	_ =	sdelay $0x1  }
0x8a: {  	s1 =	srdreg.scid  }
0x8b: {  	s0 =	sand.u32 $0x1, s1  }
0x8c: {  	s17 =	sshll.u32 s0, $0xA;
	s2 =	sadd.s32 s3, s2  }
0x8d: {  	s2 =	sadd.s32 s2, s17  }
0x8e: {  	[smem:$0x3FC2] =	sst s2  }
0x8f: {  	_ = 	snop  }
0x90: {  	s2 =	sld [smem:$0x3FC9];
	(tm) =	ssettm $0x1  }
0x91: {  	s18 =	sld [smem:$0x3FFB];
	_ =	sdelay $0x3  }
0x92: {  	_ =	strace s18  }
0x93: {  	s3 =	sld [smem:$0x3FFC];
	_ =	sdelay $0x3  }
0x94: {  	_ =	strace s3  }
0x95: {  	s3 =	sld [smem:$0x3FFD];
	_ =	sdelay $0x3  }
0x96: {  	_ =	strace s3  }
0x97: {  	_ =	strace $0x8FFFFFFF  }
0x98: {  	s19 =	sld [smem:$0x3FDB];
	_ =	sdelay $0x1  }
0x99: {  	s4 =	simm.s32 $_scs_section_size  }
0x9a: {  	s5 =	simm.s32 $_size__tile_overlayer_lowered;
	s6 =	simm.s32 $_tile_overlayer_lowered  }
0x9b: {  	s22 =	simm.s32 $0x1BFF;
	s21 =	sshll.u32 s6, $0x1;
	s3 =	sadd.s32 s4, s19  }
0x9c: {  	s7 =	simm.s32 $0x0;
	s20 =	sshll.u32 s5, $0x1;
	s5 =	sadd.s32 s21, s3  }
0x9d: {  	[timem:s7], [sflag:s22] =	dma.local [hbm:s5], s20  }
0x9e: {  	_ =	swait.ge [sflag:s22], s20  }
0x9f: {  	s4 =	ssub.s32 $0x0, s20;
	[sflag:s22] =	ssyncset.done $0x0  }
0xa0: {  	[sflag:s22] =	ssyncadd.s32 s4;
	_ =	sdelay $0x1  }
0xa1: {  	s23 =	simm.s32 $0x1B8B  }
0xa2: {  	_ =	swait.ge [sflag:s23], $0x1  }
0xa3: {  	[sflag:s23] =	ssyncset.done $0x0  }
0xa4: {  	s25 =	simm.s32 $0x1B8E;
	s24 =	sld [smem:$0x3FFE];
	[sflag:s23] =	ssyncadd.s32 $0xFFFFFFFF  }
0xa5: {  	s26 =	simm.s32 $execute0_lowered;
	[smem:$0x3FD2] =	sst s25  }
0xa6: {  	s5 =	sshll.u32 s26, $0x1;
	_ =	strace $0x80000046;
	[dreg:$0x1] =	wrdreg $0xFFFFFFFF  }
0xa7: {  	s28 =	simm.s32 $_size_execute0_lowered;
	s3 =	sadd.s32 s3, s5;
	[dreg:$0x0] =	wrdreg $0x0  }
0xa8: {  	s5 =	sshll.u32 s28, $0x1;
	[dreg:$0x2] =	wrdreg s3  }
0xa9: {  	[dreg:$0x3] =	wrdreg s5  }
0xaa: {  	[dreg:$0x4] =	wrdreg $0xC0  }
0xab: {  	_ =	task [dreg:s7], $0x5FFFF  }
0xac: {  	[dreg:$0x1] =	wrdreg $0xFFFFFFFF  }
0xad: {  	[dreg:$0x0] =	wrdreg $0x60  }
0xae: {  	[dreg:$0x2] =	wrdreg s24  }
0xaf: {  	[dreg:$0x3] =	wrdreg s2  }
0xb0: {  	[dreg:$0x4] =	wrdreg $0x9  }
0xb1: {  	_ =	task.clear_ibuf [dreg:s7], $0x5FFFF;
	_ =	strace $0x90000046  }
0xb2: {  	s29 =	simm.s32 $0x9;
	_ =	strace $0x80000048  }
0xb3: {  	_ =	swait.ge [sflag:s29], $0x1  }
0xb4: {  	[sflag:s29] =	ssyncadd.s32 $0xFFFFFFFF  }
0xb5: {  	_ =	strace $0x90000048  }
0xb6: {  	_ =	sfence  }
0xb7: {  	s30 =	sld [smem:$0x0];
	_ =	sdelay $0x2  }
0xb8: {  	s31 =	sshll.u32 s1, $0xD;
	s1 =	sshrl.u32 s1, $0x2  }
0xb9: {  	s3 =	sand.u32 $0x4000, s31;
	s1 =	sadd.s32 s1, s30  }
0xba: {  	s0 =	sor.u32 s3, s0;
	s1 =	sshll.u32 s1, $0x11  }
0xbb: {  	s0 =	sor.u32 s1, s0  }
0xbc: {  	s0 =	sadd.s32 $0x8F2B, s0  }
0xbd: {  	[sflag:s0] =	ssyncadd.remote.s32 $0x1  }
0xbe: {  	_ =	sfence.sel $0xFFFF  }
0xbf: {  	[dreg:$0x0] =	wrdreg $0xFFFFFFFF;
	(pc) =	sbr.abs _section_cstart, $3  }
0xc0: {  	[dreg:$0x1] =	wrdreg $0xFFFFFFFF  }
0xc1: {  	_ =	task.clear_ibuf [dreg:s7], $0x2FFFF;
	_ =	strace $0x9FFFFFFF  }
0xc2: {  	(tm) =	ssettm $0x7FFFFFFF  }
0xc3: {  	_ =	shalt  }
tec
execute0_lowered:
.L_overlay_start_1:
0x0: {  	(tag) =	ssettag $0x1  }
0x1: {  	s4 =	rddreg [dreg:$0x0]  }
0x2: {  	s5 =	rddreg [dreg:$0x1]  }
0x3: {  	s0 =	rddreg [dreg:$0x2];
	s2 =	simm.s32 $0x0;
	s3 =	srdreg.scid  }
0x4: {  	s1 =	stileid.u32;
	s10 =	simm.s32 $0x200;
	s11 =	simm.s32 $0x600  }
0x5: {  	s12 =	simm.s32 $0x400;
	s13 =	simm.s32 $0x800;
	s14 =	simm.s32 $0x280  }
0x6: {  	s15 =	simm.s32 $0x680;
	s16 =	simm.s32 $0x480;
	s17 =	simm.s32 $0x880  }
0x7: {  	s18 =	simm.s32 $0x300;
	s19 =	simm.s32 $0x700;
	s20 =	simm.s32 $0x500  }
0x8: {  	s21 =	simm.s32 $0x900;
	s22 =	simm.s32 $0x380;
	s23 =	simm.s32 $0x780  }
0x9: {  	s24 =	simm.s32 $0x580;
	s25 =	simm.s32 $0x980;
	s26 =	simm.s32 $0x1  }
0xa: {  	s28 =	simm.s32 $0x0;
	[smem:$0x7FF] =	sst s2;
	s3 =	sand.u32 $0x1, s3  }
0xb: {  	s6 =	sshll.u32 s1, $0x7;
	s7 =	sshll.u32 s3, $0x6;
	s8 =	ssub.s32 $0x2, s3  }
0xc: {  	_ =	strace $0x80000047;
	s6 =	sor.u32 s7, s6;
	s31 =	sshrl.u32 s8, $0x1  }
0xd: {  	s3 =	sadd.s32 $0xA00, s4;
	s9 =	sadd.s32 s6, s4;
	s7 =	ssub.s32 s8, s31  }
0xe: {  	s4 =	sadd.s32 s5, s6;
	s8 =	simm.s32 $0x2;
	s5 =	sadd.s32 $0x3DC00, s9  }
0xf: {  	s6 =	sadd.s32 $0x3E400, s9;
	s7 =	smax.u32 s7, $0x1;
	s9 =	simm.s32 $0x80  }
.LBB2_1:
0x10: {  	[tilespmem:s2], [sflag:$0x2] =	stream.linear.gather [hbm4b:s4+s2], $0x200, $0x38;
	[tilespmem:$0xA00] =	vst v63  }
0x11: {  	_ =	swait.ge [sflag:s8], $0x200  }
0x12: {  	[sflag:s8] =	ssyncset.done $0x0  }
0x13: {  	s29 =	simm.s32 $0x0;
	[sflag:s8] =	ssyncadd.s32 $0xFFFFFE00  }
0x14: {  	v0 =	vld [tilespmem:s29+$0x0];
	_ =	sdelay $0x2  }
0x15: {  	s30 =	simm.s32 $0x40  }
.LBB2_2:
0x16: {  	p0 =	sne.s32 s30, $0x7C0  }
.Ltmp0:
0x17: {  	s31 =	sshra.s32 s30, $0x2;
	s30 =	sadd.s32 $0x40, s30;
	v1 =	vshll.u32 v0, $0x1;
	(pc) =	sbr.rel @p0 .LBB2_2-.Ltmp0, $4  }
0x18: {  	v2 =	vand.u32 $0x7F, v0;
	v1 =	vand.u32 $0xFFFFFF00, v1;
	v0 =	vld [tilespmem:s31+$0x0]  }
0x19: {  	v1 =	vor.u32 v2, v1  }
0x1a: {  	[tilespmem:s29+$0x200] =	vst v1;
	v1 =	vor.u32 $0x80, v1  }
0x1b: {  	[tilespmem:s29+$0x400] =	vst v1;
	s29 =	smov.u32 s31  }
0x1c: {  	_ = 	snop  }
0x1d: {  	v1 =	vshll.u32 v0, $0x1  }
0x1e: {  	v63 =	vand.u32 $0x7F, v0;
	v1 =	vand.u32 $0xFFFFFF00, v1  }
0x1f: {  	v0 =	vor.u32 v63, v1  }
0x20: {  	[tilespmem:s29+$0x200] =	vst v0;
	v0 =	vor.u32 $0x80, v0  }
0x21: {  	[tilespmem:s29+$0x400] =	vst v0  }
0x22: {  	[tilespmem:s11], [sflag:$0x1] =	stream.indirect.gather [hbm4b:s3+s9], $0x1, s10, s9, $0xb8;
	[tilespmem:$0xA00] =	vst v63  }
0x23: {  	_ = 	snop  }
0x24: {  	[tilespmem:s13], [sflag:$0x1] =	stream.indirect.gather [hbm4b:s3+s9], $0x1, s12, s9, $0xb8;
	[tilespmem:$0xA00] =	vst v63  }
0x25: {  	_ = 	snop  }
0x26: {  	[tilespmem:s15], [sflag:$0x1] =	stream.indirect.gather [hbm4b:s3+s9], $0x1, s14, s9, $0xb8;
	[tilespmem:$0xA00] =	vst v63  }
0x27: {  	_ = 	snop  }
0x28: {  	[tilespmem:s17], [sflag:$0x1] =	stream.indirect.gather [hbm4b:s3+s9], $0x1, s16, s9, $0xb8;
	[tilespmem:$0xA00] =	vst v63  }
0x29: {  	_ = 	snop  }
0x2a: {  	[tilespmem:s19], [sflag:$0x1] =	stream.indirect.gather [hbm4b:s3+s9], $0x1, s18, s9, $0xb8;
	[tilespmem:$0xA00] =	vst v63  }
0x2b: {  	_ = 	snop  }
0x2c: {  	[tilespmem:s21], [sflag:$0x1] =	stream.indirect.gather [hbm4b:s3+s9], $0x1, s20, s9, $0xb8;
	[tilespmem:$0xA00] =	vst v63  }
0x2d: {  	_ = 	snop  }
0x2e: {  	[tilespmem:s23], [sflag:$0x1] =	stream.indirect.gather [hbm4b:s3+s9], $0x1, s22, s9, $0xb8;
	[tilespmem:$0xA00] =	vst v63  }
0x2f: {  	_ = 	snop  }
0x30: {  	[tilespmem:s25], [sflag:$0x1] =	stream.indirect.gather [hbm4b:s3+s9], $0x1, s24, s9, $0xb8;
	[tilespmem:$0xA00] =	vst v63  }
0x31: {  	_ =	swait.ge [sflag:s26], $0x80  }
0x32: {  	[sflag:s26] =	ssyncset.done $0x0  }
0x33: {  	[sflag:s26] =	ssyncadd.s32 $0xFFFFFF80  }
0x34: {  	_ =	swait.ge [sflag:s26], $0x80  }
0x35: {  	[sflag:s26] =	ssyncset.done $0x0  }
0x36: {  	[sflag:s26] =	ssyncadd.s32 $0xFFFFFF80  }
0x37: {  	_ =	swait.ge [sflag:s26], $0x80  }
0x38: {  	[sflag:s26] =	ssyncset.done $0x0  }
0x39: {  	[sflag:s26] =	ssyncadd.s32 $0xFFFFFF80  }
0x3a: {  	_ =	swait.ge [sflag:s26], $0x80  }
0x3b: {  	[sflag:s26] =	ssyncset.done $0x0  }
0x3c: {  	[sflag:s26] =	ssyncadd.s32 $0xFFFFFF80  }
0x3d: {  	_ =	swait.ge [sflag:s26], $0x80  }
0x3e: {  	[sflag:s26] =	ssyncset.done $0x0  }
0x3f: {  	[sflag:s26] =	ssyncadd.s32 $0xFFFFFF80  }
0x40: {  	_ =	swait.ge [sflag:s26], $0x80  }
0x41: {  	[sflag:s26] =	ssyncset.done $0x0  }
0x42: {  	[sflag:s26] =	ssyncadd.s32 $0xFFFFFF80  }
0x43: {  	_ =	swait.ge [sflag:s26], $0x80  }
0x44: {  	[sflag:s26] =	ssyncset.done $0x0  }
0x45: {  	[sflag:s26] =	ssyncadd.s32 $0xFFFFFF80  }
0x46: {  	_ =	swait.ge [sflag:s26], $0x80  }
0x47: {  	[sflag:s26] =	ssyncset.done $0x0  }
0x48: {  	[sflag:s26] =	ssyncadd.s32 $0xFFFFFF80  }
0x49: {  	[hbm4b:s5+s2] =	stream.linear.scatter [tilespmem:s11], [sflag:$0x2], $0x200, $0x38;
	[tilespmem:$0xA00] =	vst v63  }
0x4a: {  	s28 =	sadd.s32 $0x1, s28;
	_ =	swait.ge [sflag:s8], $0x200  }
0x4b: {  	p0 =	sne.s32 s28, s7;
	[sflag:s8] =	ssyncset.done $0x0  }
.Ltmp1:
0x4c: {  	[sflag:s8] =	ssyncadd.s32 $0xFFFFFE00;
	(pc) =	sbr.rel @p0 .LBB2_1-.Ltmp1, $4  }
0x4d: {  	[hbm4b:s6+s2] =	stream.linear.scatter [tilespmem:s13], [sflag:$0x2], $0x200, $0x38;
	[tilespmem:$0xA00] =	vst v63  }
0x4e: {  	_ =	swait.ge [sflag:s8], $0x200  }
0x4f: {  	[sflag:s8] =	ssyncset.done $0x0  }
0x50: {  	[sflag:s8] =	ssyncadd.s32 $0xFFFFFE00  }
0x51: {  	_ =	sfence.sel $0x180000  }
0x52: {  	[bflag:$0x0] =	sbarrier.arrive $0xFFFF  }
0x53: {  	p0 =	sne.s32 s1, $0x0;
	_ =	strace $0x90000047  }
0x54: {  	s0 =	sadd.s32 @!p0 $0x100000, s0;
	[bflag:$0x2] =	sbarrier.arrive $0xFFFF  }
0x55: {  	[sflag:s0] =	ssyncadd.tile.s32 @!p0 $0x1;
	_ =	shalt  }
.Lfunc_end2:
_tile_overlayer_lowered:
.L_overlay_start_2:
0x56: {  	(tag) =	ssettag $0x2  }
0x57: {  	s0 =	rddreg [dreg:$0x0];
	s2 =	stileid.u32  }
0x58: {  	s1 =	rddreg [dreg:$0x1];
	p0 =	sne.s32 s2, $0x0  }
0x59: {  	s3 =	rddreg [dreg:$0x2];
	[bflag:$0x3] =	sbarrier.arrive $0xFFFF;
	s2 =	simm.s32 @!p0 $0x1C02  }
0x5a: {  	[timem:s3], [sflag:s2] =	dma.local @!p0 [hbm:s0], s1  }
0x5b: {  	s0 =	simm.s32 @!p0 $0x2  }
0x5c: {  	_ =	swait.ge @!p0 [sflag:s0], s1  }
0x5d: {  	s1 =	ssub.s32 @!p0 $0x0, s1;
	[sflag:s0] =	ssyncset.done @!p0 $0x0  }
0x5e: {  	[sflag:s0] =	ssyncadd.s32 @!p0 s1  }
0x5f: {  	[bflag:$0x3] =	sbarrier.arrive $0xFFFF  }
0x60: {  	_ =	shalt  }

</sc_bundles>
